<compile_context>
chip_gen: v7x
topology: tpu7x:2x2x1
jax: 0.10.2.dev20260603
libtpu: 0.0.44.dev20260713+nightly
codegen_flags: <defaults>
</compile_context>

<pallas_src>
import functools

import jax
import jax.numpy as jnp
from jax import lax
from jax.experimental import pallas as pl
from jax.experimental.pallas import tpu as pltpu
from jax.experimental.pallas import tpu_sc as plsc

B = 4096
D = 768
K = 1024

BT = 1024
CT_R = 1024
CT_C = 2048


def _sim_argmax_body(x_ref, c_ref, sim_ref, idx_ref):
    x = x_ref[...]
    c = c_ref[...]
    dots = lax.dot_general(x, c, (((1,), (1,)), ((), ())),
                           preferred_element_type=jnp.float32)
    xn = jnp.sqrt(jnp.sum(x * x, axis=1))
    cn = jnp.sqrt(jnp.sum(c * c, axis=1))
    denom = jnp.maximum(xn[:, None] * cn[None, :], 1e-8)
    sim = dots / denom
    sim_ref[...] = sim
    idx_ref[0, 0, :] = jnp.argmax(sim, axis=1).astype(jnp.int32)


def _cluster_body(idx_r_ref, idx_c_ref, out_ref):
    i = pl.program_id(0)
    j = pl.program_id(1)
    r = idx_r_ref[0, :]
    c = idx_c_ref[0, :]
    eq = r[:, None] == c[None, :]
    rg = i * CT_R + lax.broadcasted_iota(jnp.int32, (CT_R, CT_C), 0)
    cg = j * CT_C + lax.broadcasted_iota(jnp.int32, (CT_R, CT_C), 1)
    out_ref[...] = jnp.where(eq & (rg != cg), 1.0, 0.0)


_NC = 2
_NS = 16
_NW = _NC * _NS
_BPW = B // _NW


@functools.cache
def _make_sc_gather():
    mesh = plsc.VectorSubcoreMesh(core_axis_name="c", subcore_axis_name="s")

    @functools.partial(
        pl.kernel,
        mesh=mesh,
        out_type=jax.ShapeDtypeStruct((B, D), jnp.float32),
        scratch_types=[
            pltpu.VMEM((_BPW,), jnp.int32),
            pltpu.VMEM((_BPW, D), jnp.float32),
            pltpu.SemaphoreType.DMA,
        ],
    )
    def _sc_gather(table_hbm, idx_hbm, out_hbm, idx_v, rows_v, sem):
        wid = lax.axis_index("s") * _NC + lax.axis_index("c")
        base = wid * _BPW
        pltpu.sync_copy(idx_hbm.at[pl.ds(base, _BPW)], idx_v)
        pltpu.async_copy(table_hbm.at[idx_v], rows_v, sem).wait()
        pltpu.sync_copy(rows_v, out_hbm.at[pl.ds(base, _BPW)])

    return _sc_gather


def kernel(datapoints, batch_cos_sim, centroid):
    sim, idx3 = pl.pallas_call(
        _sim_argmax_body,
        grid=(B // BT,),
        in_specs=[
            pl.BlockSpec((BT, D), lambda i: (i, 0)),
            pl.BlockSpec((K, D), lambda i: (0, 0)),
        ],
        out_specs=[
            pl.BlockSpec((BT, K), lambda i: (i, 0)),
            pl.BlockSpec((1, 1, BT), lambda i: (i, 0, 0)),
        ],
        out_shape=[
            jax.ShapeDtypeStruct((B, K), jnp.float32),
            jax.ShapeDtypeStruct((B // BT, 1, BT), jnp.int32),
        ],
    )(datapoints, centroid)
    dp_index = idx3.reshape(B)
    idx2 = idx3.reshape(1, B)

    dp_cluster = pl.pallas_call(
        _cluster_body,
        grid=(B // CT_R, B // CT_C),
        in_specs=[
            pl.BlockSpec((1, CT_R), lambda i, j: (0, i)),
            pl.BlockSpec((1, CT_C), lambda i, j: (0, j)),
        ],
        out_specs=pl.BlockSpec((CT_R, CT_C), lambda i, j: (i, j)),
        out_shape=jax.ShapeDtypeStruct((B, B), jnp.float32),
    )(idx2, idx2)

    dp_centroid = _make_sc_gather()(centroid, dp_index)
    return sim, dp_index, dp_cluster, dp_centroid

# --- scband reference (transcript-rebuilt; emitter-appended) ---
"""Pipeline reference for scband-kmeans-cluster-17652315587495 (READ-ONLY COPY).

The authoritative reference and input builder live on the scoring server;
editing this copy changes nothing except your own understanding.
"""

import jax, jax.numpy as jnp
import numpy as np

B = 4096
D = 768
K = 1024


def _cosine_sim(x, y):
    # pairwise cosine similarity between rows of x [B, D] and rows of y [K, D]
    # matches torch.nn.CosineSimilarity(dim=-1) with eps=1e-8 applied to
    # broadcasted x.unsqueeze(1), y.unsqueeze(0)
    xn = jnp.sqrt(jnp.sum(x * x, axis=-1))
    yn = jnp.sqrt(jnp.sum(y * y, axis=-1))
    dots = x @ y.T
    denom = jnp.maximum(xn[:, None] * yn[None, :], 1e-8)
    return dots / denom


def setup_inputs(seed: int = 0) -> dict:
    key = jax.random.key(seed)
    k1, k2, k3 = jax.random.split(key, 3)
    datapoints = jax.random.normal(k1, (B, D), dtype=jnp.float32)
    batch_cos_sim = jax.random.uniform(k2, (B, B), dtype=jnp.float32)
    # learned centroid table (module state self.centroid)
    centroid = jax.random.normal(k3, (K, D), dtype=jnp.float32)
    return {"datapoints": datapoints, "batch_cos_sim": batch_cos_sim, "centroid": centroid}


def reference(datapoints, batch_cos_sim, centroid):
    # forward: datapoints = datapoints.clone().detach()
    dp = jax.lax.stop_gradient(datapoints)
    # intra_cos_sim = sim(datapoints.unsqueeze(1), centroid.unsqueeze(0)) / temp(=1)
    intra_cos_sim = _cosine_sim(dp, centroid)  # [B, K]
    # dp_index = argmax over centroids
    dp_index = jnp.argmax(intra_cos_sim, axis=-1)  # [B]
    # _intra_class_adjacency
    onehot = jax.nn.one_hot(dp_index, K, dtype=jnp.float32)  # [B, K]
    index_dp = onehot.T  # [K, B]
    dp_cluster = onehot @ index_dp  # [B, B]
    dp_cluster = dp_cluster * (1.0 - jnp.eye(B, dtype=jnp.float32))  # fill_diagonal_(0)
    # dp_centroid = gather(centroid, dim=0, index=dp_index.expand_as(datapoints))
    dp_centroid = jnp.take(centroid, dp_index, axis=0)  # [B, D]
    return intra_cos_sim, dp_index, dp_cluster, dp_centroid

if __name__ == "__main__":
    import jax
    _d = setup_inputs()
    print(jax.jit(kernel)(*tuple(_d.values())))

</pallas_src>

<mosaic_0001>
#map = affine_map<(d0, d1) -> (0, 0)>
#map1 = affine_map<(d0, d1) -> (0)>
module attributes {stable_mosaic.version = 14 : i64} {
  func.func @_sc_gather(%arg0: i32, %arg1: i32, %arg2: memref<1024x768xf32, #tpu.memory_space<hbm>>, %arg3: memref<4096xi32, #tpu.memory_space<hbm>>, %arg4: memref<4096x768xf32, #tpu.memory_space<hbm>>, %arg5: memref<128xi32, #tpu.memory_space<vmem>>, %arg6: memref<128x768xf32, #tpu.memory_space<vmem>>, %arg7: memref<!tpu.dma_semaphore, #tpu.memory_space<semaphore_mem>>) attributes {dimension_semantics = [#tpu.dimension_semantics<core_parallel>, #tpu.dimension_semantics<subcore_parallel>], iteration_bounds = array<i64: 2, 16>, scalar_prefetch = 0 : i64, scratch_operands = 3 : i64, tpu.core_type = #tpu.core_type<sc_vector_subcore>, window_params = [{transform_indices = #map}, {transform_indices = #map1}, {transform_indices = #map}]} {
    %mul3A = arith.constant 2 : i32
    %mul3A_0 = arith.muli %arg1, %mul3A : i32
    %add3A = arith.addi %mul3A_0, %arg0 : i32
    %mul3A_1 = arith.constant 128 : i32
    %mul3A_2 = arith.muli %add3A, %mul3A_1 : i32
    "tpu.region"() ({
      %run_scoped3A = tpu.sem_alloc : memref<!tpu.dma_semaphore, #tpu.memory_space<semaphore_mem>>
      %dma_start3A_7 = tpu.memref_slice %arg3[%mul3A_2] : memref<4096xi32, #tpu.memory_space<hbm>> -> memref<128xi32, #tpu.memory_space<hbm>>
      %dma_start3A_8 = tpu.memref_slice %arg3[%mul3A_2] : memref<4096xi32, #tpu.memory_space<hbm>> -> memref<128xi32, #tpu.memory_space<hbm>>
      tpu.enqueue_dma source(%dma_start3A_8 : memref<128xi32, #tpu.memory_space<hbm>>) target(%arg5 : memref<128xi32, #tpu.memory_space<vmem>>) target_semaphore(%run_scoped3A : memref<!tpu.dma_semaphore, #tpu.memory_space<semaphore_mem>>)
      %dma_wait3A_9 = tpu.memref_slice %arg3[%mul3A_2] : memref<4096xi32, #tpu.memory_space<hbm>> -> memref<128xi32, #tpu.memory_space<hbm>>
      %dma_wait3A_10 = tpu.memref_slice %arg3[%mul3A_2] : memref<4096xi32, #tpu.memory_space<hbm>> -> memref<128xi32, #tpu.memory_space<hbm>>
      tpu.wait_dma2 semaphore(%run_scoped3A : memref<!tpu.dma_semaphore, #tpu.memory_space<semaphore_mem>>) src(%dma_wait3A_10 : memref<128xi32, #tpu.memory_space<hbm>>) dst(%arg5 : memref<128xi32, #tpu.memory_space<vmem>>)
      tpu.yield
    }) : () -> ()
    %dma_start3A = arith.constant 0 : i32
    %dma_start3A_3 = arith.constant 0 : i32
    %dma_start3A_4 = tpu.memref_slice %arg2[%dma_start3A, %dma_start3A_3] : memref<1024x768xf32, #tpu.memory_space<hbm>> -> memref<1024x768xf32, #tpu.memory_space<hbm>>
    tpu.enqueue_indirect_dma source(%dma_start3A_4 : memref<1024x768xf32, #tpu.memory_space<hbm>>) target(%arg6 : memref<128x768xf32, #tpu.memory_space<vmem>>) offsets(%arg5 : memref<128xi32, #tpu.memory_space<vmem>>) semaphore(%arg7 : memref<!tpu.dma_semaphore, #tpu.memory_space<semaphore_mem>>)
    %dma_wait3A = arith.constant 0 : i32
    %dma_wait3A_5 = arith.constant 0 : i32
    %dma_wait3A_6 = tpu.memref_slice %arg2[%dma_wait3A, %dma_wait3A_5] : memref<1024x768xf32, #tpu.memory_space<hbm>> -> memref<1024x768xf32, #tpu.memory_space<hbm>>
    tpu.wait_indirect_dma semaphore(%arg7 : memref<!tpu.dma_semaphore, #tpu.memory_space<semaphore_mem>>) src(%dma_wait3A_6 : memref<1024x768xf32, #tpu.memory_space<hbm>>) dst(%arg6 : memref<128x768xf32, #tpu.memory_space<vmem>>)
    "tpu.region"() ({
      %run_scoped3A = tpu.sem_alloc : memref<!tpu.dma_semaphore, #tpu.memory_space<semaphore_mem>>
      %dma_start3A_7 = arith.constant 0 : i32
      %dma_start3A_8 = tpu.memref_slice %arg4[%mul3A_2, %dma_start3A_7] : memref<4096x768xf32, #tpu.memory_space<hbm>> -> memref<128x768xf32, #tpu.memory_space<hbm>>
      %dma_start3A_9 = arith.constant 0 : i32
      %dma_start3A_10 = tpu.memref_slice %arg4[%mul3A_2, %dma_start3A_9] : memref<4096x768xf32, #tpu.memory_space<hbm>> -> memref<128x768xf32, #tpu.memory_space<hbm>>
      tpu.enqueue_dma source(%arg6 : memref<128x768xf32, #tpu.memory_space<vmem>>) target(%dma_start3A_10 : memref<128x768xf32, #tpu.memory_space<hbm>>) target_semaphore(%run_scoped3A : memref<!tpu.dma_semaphore, #tpu.memory_space<semaphore_mem>>)
      %dma_wait3A_11 = arith.constant 0 : i32
      %dma_wait3A_12 = tpu.memref_slice %arg4[%mul3A_2, %dma_wait3A_11] : memref<4096x768xf32, #tpu.memory_space<hbm>> -> memref<128x768xf32, #tpu.memory_space<hbm>>
      %dma_wait3A_13 = arith.constant 0 : i32
      %dma_wait3A_14 = tpu.memref_slice %arg4[%mul3A_2, %dma_wait3A_13] : memref<4096x768xf32, #tpu.memory_space<hbm>> -> memref<128x768xf32, #tpu.memory_space<hbm>>
      tpu.wait_dma2 semaphore(%run_scoped3A : memref<!tpu.dma_semaphore, #tpu.memory_space<semaphore_mem>>) src(%arg6 : memref<128x768xf32, #tpu.memory_space<vmem>>) dst(%dma_wait3A_14 : memref<128x768xf32, #tpu.memory_space<hbm>>)
      tpu.yield
    }) : () -> ()
    return
  }
}

module attributes {stable_mosaic.version = 14 : i64} {
  func.func @_sim_argmax_body(%arg0: i32, %arg1: memref<1024x768xf32, #tpu.memory_space<vmem>>, %arg2: memref<1024x768xf32, #tpu.memory_space<vmem>>, %arg3: memref<1024x1024xf32, #tpu.memory_space<vmem>>, %arg4: memref<1x1x1024xi32, #tpu.memory_space<vmem>>) attributes {dimension_semantics = [#tpu.dimension_semantics<arbitrary>], iteration_bounds = array<i64: 4>, scalar_prefetch = 0 : i64, scratch_operands = 0 : i64, tpu.core_type = #tpu.core_type<tc>, window_params = [{transform_indices = @transform_0, window_bounds = array<i64: 1024, 768>}, {pipeline_mode = #tpu.pipeline_mode<synchronous>, transform_indices = @transform_1, window_bounds = array<i64: 1024, 768>}, {transform_indices = @transform_2, window_bounds = array<i64: 1024, 1024>}, {transform_indices = @transform_3, window_bounds = array<i64: 1, 1, 1024>}]} {
    %get3A = arith.constant 0 : index
    %get3A_0 = arith.constant 0 : index
    %get3A_1 = vector.load %arg1[%get3A, %get3A_0] : memref<1024x768xf32, #tpu.memory_space<vmem>>, vector<1024x768xf32>
    %get3A_2 = arith.constant 0 : index
    %get3A_3 = arith.constant 0 : index
    %get3A_4 = vector.load %arg2[%get3A_2, %get3A_3] : memref<1024x768xf32, #tpu.memory_space<vmem>>, vector<1024x768xf32>
    %dot_general3A = arith.constant dense<0.000000e+00> : vector<1024x1024xf32>
    %dot_general3A_5 = tpu.matmul %get3A_1, %get3A_4, %dot_general3A {dimension_numbers = #tpu.dot_dimension_numbers<[1], [1], [0], [0], [0, 0, 1, 0], [], []>, transpose_lhs_hint = false} : vector<1024x768xf32>, vector<1024x768xf32>, vector<1024x1024xf32> -> vector<1024x1024xf32>
    %mul3A = arith.mulf %get3A_1, %get3A_1 : vector<1024x768xf32>
    %reduce_sum3A = arith.constant dense<0.000000e+00> : vector<1024xf32>
    %reduce_sum3A_6 = vector.multi_reduction <add>, %mul3A, %reduce_sum3A [1] : vector<1024x768xf32> to vector<1024xf32>
    %sqrt3A = math.sqrt %reduce_sum3A_6 : vector<1024xf32>
    %mul3A_7 = arith.mulf %get3A_4, %get3A_4 : vector<1024x768xf32>
    %reduce_sum3A_8 = arith.constant dense<0.000000e+00> : vector<1024xf32>
    %reduce_sum3A_9 = vector.multi_reduction <add>, %mul3A_7, %reduce_sum3A_8 [1] : vector<1024x768xf32> to vector<1024xf32>
    %sqrt3A_10 = math.sqrt %reduce_sum3A_9 : vector<1024xf32>
    %broadcast_in_dim3A = vector.shape_cast %sqrt3A : vector<1024xf32> to vector<1024x1xf32>
    %broadcast_in_dim3A_11 = vector.shape_cast %sqrt3A_10 : vector<1024xf32> to vector<1x1024xf32>
    %mul3A_12 = vector.broadcast %broadcast_in_dim3A : vector<1024x1xf32> to vector<1024x1024xf32>
    %mul3A_13 = vector.broadcast %broadcast_in_dim3A_11 : vector<1x1024xf32> to vector<1024x1024xf32>
    %mul3A_14 = arith.mulf %mul3A_12, %mul3A_13 : vector<1024x1024xf32>
    %max3A = arith.constant 9.99999993E-9 : f32
    %max3A_15 = vector.broadcast %max3A : f32 to vector<1024x1024xf32>
    %max3A_16 = arith.maximumf %mul3A_14, %max3A_15 : vector<1024x1024xf32>
    %div3A = arith.divf %dot_general3A_5, %max3A_16 : vector<1024x1024xf32>
    %swap3A = arith.constant 0 : index
    %swap3A_17 = arith.constant 0 : index
    %swap3A_18 = vector.load %arg3[%swap3A, %swap3A_17] : memref<1024x1024xf32, #tpu.memory_space<vmem>>, vector<1024x1024xf32>
    tpu.vector_store %arg3[%swap3A, %swap3A_17], %div3A {strides = array<i32>} : memref<1024x1024xf32, #tpu.memory_space<vmem>>, vector<1024x1024xf32>,
    %argmax3A = tpu.reduce_index %div3A {axis = 1 : i32, kind = #tpu.reduction_kind<arg_max>} : vector<1024x1024xf32> -> vector<1024xi32>
    %swap3A_19 = arith.constant 0 : index
    %swap3A_20 = arith.constant 0 : index
    %swap3A_21 = arith.constant 0 : index
    %swap3A_22 = vector.load %arg4[%swap3A_19, %swap3A_20, %swap3A_21] : memref<1x1x1024xi32, #tpu.memory_space<vmem>>, vector<1x1x1024xi32>
    %swap3A_23 = vector.shape_cast %swap3A_22 : vector<1x1x1024xi32> to vector<1024xi32>
    %swap3A_24 = vector.shape_cast %argmax3A : vector<1024xi32> to vector<1x1x1024xi32>
    tpu.vector_store %arg4[%swap3A_19, %swap3A_20, %swap3A_21], %swap3A_24 {strides = array<i32>} : memref<1x1x1024xi32, #tpu.memory_space<vmem>>, vector<1x1x1024xi32>,
    return
  }
  func.func @transform_0(%arg0: i32) -> (i32, i32) {
    %c0_i32 = arith.constant 0 : i32
    %c0_i32_0 = arith.constant 0 : i32
    return %arg0, %c0_i32 : i32, i32
  }
  func.func @transform_1(%arg0: i32) -> (i32, i32) {
    %c0_i32 = arith.constant 0 : i32
    %c0_i32_0 = arith.constant 0 : i32
    %c0_i32_1 = arith.constant 0 : i32
    return %c0_i32, %c0_i32_0 : i32, i32
  }
  func.func @transform_2(%arg0: i32) -> (i32, i32) {
    %c0_i32 = arith.constant 0 : i32
    %c0_i32_0 = arith.constant 0 : i32
    return %arg0, %c0_i32 : i32, i32
  }
  func.func @transform_3(%arg0: i32) -> (i32, i32, i32) {
    %c0_i32 = arith.constant 0 : i32
    %c0_i32_0 = arith.constant 0 : i32
    %c0_i32_1 = arith.constant 0 : i32
    return %arg0, %c0_i32, %c0_i32_0 : i32, i32, i32
  }
}

module attributes {stable_mosaic.version = 14 : i64} {
  func.func @_cluster_body(%arg0: i32, %arg1: i32, %arg2: memref<1x1024xi32, #tpu.memory_space<vmem>>, %arg3: memref<1x2048xi32, #tpu.memory_space<vmem>>, %arg4: memref<1024x2048xf32, #tpu.memory_space<vmem>>) attributes {dimension_semantics = [#tpu.dimension_semantics<arbitrary>, #tpu.dimension_semantics<arbitrary>], iteration_bounds = array<i64: 4, 2>, scalar_prefetch = 0 : i64, scratch_operands = 0 : i64, tpu.core_type = #tpu.core_type<tc>, window_params = [{transform_indices = @transform_0, window_bounds = array<i64: 1, 1024>}, {transform_indices = @transform_1, window_bounds = array<i64: 1, 2048>}, {transform_indices = @transform_2, window_bounds = array<i64: 1024, 2048>}]} {
    %get3A = arith.constant 0 : index
    %get3A_0 = arith.constant 0 : index
    %get3A_1 = vector.load %arg2[%get3A, %get3A_0] : memref<1x1024xi32, #tpu.memory_space<vmem>>, vector<1x1024xi32>
    %get3A_2 = vector.shape_cast %get3A_1 : vector<1x1024xi32> to vector<1024xi32>
    %get3A_3 = arith.constant 0 : index
    %get3A_4 = arith.constant 0 : index
    %get3A_5 = vector.load %arg3[%get3A_3, %get3A_4] : memref<1x2048xi32, #tpu.memory_space<vmem>>, vector<1x2048xi32>
    %get3A_6 = vector.shape_cast %get3A_5 : vector<1x2048xi32> to vector<2048xi32>
    %broadcast_in_dim3A = vector.shape_cast %get3A_2 : vector<1024xi32> to vector<1024x1xi32>
    %broadcast_in_dim3A_7 = vector.shape_cast %get3A_6 : vector<2048xi32> to vector<1x2048xi32>
    %eq3A = vector.broadcast %broadcast_in_dim3A : vector<1024x1xi32> to vector<1024x2048xi32>
    %eq3A_8 = vector.broadcast %broadcast_in_dim3A_7 : vector<1x2048xi32> to vector<1024x2048xi32>
    %eq3A_9 = arith.cmpi eq, %eq3A, %eq3A_8 : vector<1024x2048xi32>
    %mul3A = arith.constant 1024 : i32
    %mul3A_10 = arith.muli %arg0, %mul3A : i32
    %iota3A = tpu.iota {dimensions = array<i32: 0>} : vector<1024x2048xi32>
    %add3A = vector.broadcast %mul3A_10 : i32 to vector<1024x2048xi32>
    %add3A_11 = arith.addi %add3A, %iota3A : vector<1024x2048xi32>
    %mul3A_12 = arith.constant 2048 : i32
    %mul3A_13 = arith.muli %arg1, %mul3A_12 : i32
    %iota3A_14 = tpu.iota {dimensions = array<i32: 1>} : vector<1024x2048xi32>
    %add3A_15 = vector.broadcast %mul3A_13 : i32 to vector<1024x2048xi32>
    %add3A_16 = arith.addi %add3A_15, %iota3A_14 : vector<1024x2048xi32>
    %ne3A = arith.cmpi ne, %add3A_11, %add3A_16 : vector<1024x2048xi32>
    %and3A = arith.andi %eq3A_9, %ne3A : vector<1024x2048xi1>
    %jit3A = arith.constant 1.000000e+00 : f32
    %jit3A_17 = arith.constant 0.000000e+00 : f32
    %broadcast_in_dim3A_18 = vector.broadcast %jit3A : f32 to vector<1024x2048xf32>
    %broadcast_in_dim3A_19 = vector.broadcast %jit3A_17 : f32 to vector<1024x2048xf32>
    %select_n3A = arith.select %and3A, %broadcast_in_dim3A_18, %broadcast_in_dim3A_19 : vector<1024x2048xi1>, vector<1024x2048xf32>
    %swap3A = arith.constant 0 : index
    %swap3A_20 = arith.constant 0 : index
    %swap3A_21 = vector.load %arg4[%swap3A, %swap3A_20] : memref<1024x2048xf32, #tpu.memory_space<vmem>>, vector<1024x2048xf32>
    tpu.vector_store %arg4[%swap3A, %swap3A_20], %select_n3A {strides = array<i32>} : memref<1024x2048xf32, #tpu.memory_space<vmem>>, vector<1024x2048xf32>,
    return
  }
  func.func @transform_0(%arg0: i32, %arg1: i32) -> (i32, i32) {
    %c0_i32 = arith.constant 0 : i32
    %c0_i32_0 = arith.constant 0 : i32
    return %c0_i32, %arg0 : i32, i32
  }
  func.func @transform_1(%arg0: i32, %arg1: i32) -> (i32, i32) {
    %c0_i32 = arith.constant 0 : i32
    %c0_i32_0 = arith.constant 0 : i32
    return %c0_i32, %arg1 : i32, i32
  }
  func.func @transform_2(%arg0: i32, %arg1: i32) -> (i32, i32) {
    %c0_i32 = arith.constant 0 : i32
    return %arg0, %arg1 : i32, i32
  }
}

</mosaic_0001>

<sc_bundles>
// kernel: kernel.5.cloned.1.call-start
scs
__scs_entry_jumppad:
0x0: {  	(pc) =	sbr.rel $0x88, $3  }
0x1: {  	(tag) =	ssettag $0x0;
	lr =	simm.s32 $0x1  }
0x2: {  	[smem:$0x3F9F] =	sst lr;
	_ =	strace $0xD0000000  }
0x3: {  	_ = 	snop  }
0x4: {  	_ = 	snop  }
0x5: {  	_ = 	snop  }
0x6: {  	_ = 	snop  }
0x7: {  	_ = 	snop  }
__scs_overlays_trampoline_lowered:
0x8: {  	[smem:$0x3FAE] =	sst s0  }
0x9: {  	[smem:$0x3FAF] =	sst s1  }
0xa: {  	[smem:$0x3FB0] =	sst s2  }
0xb: {  	[smem:$0x3FB1] =	sst s3  }
0xc: {  	[smem:$0x3FB2] =	sst s4  }
0xd: {  	[smem:$0x3FB3] =	sst s5  }
0xe: {  	[smem:$0x3FB4] =	sst s6  }
0xf: {  	[smem:$0x3FB5] =	sst s7  }
0x10: {  	[smem:$0x3FB6] =	sst s8  }
0x11: {  	[smem:$0x3FB7] =	sst s9;
	s0 =	simm.s32 @!p0 $0x0  }
0x12: {  	s1 =	sld [smem:$0x3F9D];
	s0 =	simm.s32 @p0 $0x1  }
0x13: {  	[smem:$0x3FB8] =	sst s0;
	s0 =	simm.s32 @!p1 $0x0  }
0x14: {  	s2 =	sld [smem:$0x3F9C];
	s0 =	simm.s32 @p1 $0x1  }
0x15: {  	[smem:$0x3FB9] =	sst s0;
	s0 =	simm.s32 @!p2 $0x0  }
0x16: {  	s3 =	sld [smem:$0x3FDB];
	s0 =	simm.s32 @p2 $0x1  }
0x17: {  	s4 =	simm.s32 $0x1BF5;
	[smem:$0x3FBB] =	sst s0  }
0x18: {  	s0 =	sld [smem:$0x3F9E];
	_ =	swait.ge [sflag:s4], $0x0  }
0x19: {  	s7 =	sld [smem:$0x3F9F]  }
0x1a: {  	s8 =	sadd.s32 $0xFFFFE003, lr  }
0x1b: {  	s9 =	sadd.s32 $0xFFFFFEF7, lr;
	s5 =	simm.s32 $0xFFFFFFFF;
	p2 =	slt.u32 s8, $0xFFFFF086  }
0x1c: {  	p1 =	slt.u32 s9, $0xF7A;
	s5 =	simm.s32 @!p2 $0x0  }
0x1d: {  	s5 =	simm.s32 @p1 $0x1;
	p0 =	seq.s32 s7, s2  }
0x1e: {  	s7 =	smul.u32 @!p0 $0xF7A, s2;
	p2 =	seq.s32 @!p0 s5, $0x0  }
0x1f: {  	s9 =	smul.u32 $0xF7A, s1;
	s8 =	simm.s32 @!p0 $0x1BF5;
	p2 =	por !p2, p0  }
0x20: {  	[sflag:s8] =	ssyncset.s32 @!p0 $0xFFFFF086;
	s6 =	sadd.s32 @!p0 s3, s7;
	s7 =	simm.s32 @!p0 $0x108  }
0x21: {  	s3 =	sadd.s32 s3, s9;
	s6 =	sadd.s32 @!p0 $0x88, s6;
	s7 =	simm.s32 @p2 $0x1082  }
0x22: {  	[simem:s7], [sflag:s8] =	dma.local @!p0 [hbm:s6], $0xF7A  }
0x23: {  	s9 =	sor.u32 $0xD0000000, s2;
	s6 =	simm.s32 $0x108;
	_ =	swait.ge @!p0 [sflag:s8], $0x0  }
0x24: {  	s3 =	sadd.s32 $0x88, s3;
	s6 =	simm.s32 @!p1 $0x1082;
	[sflag:s4] =	ssyncset.s32 $0xFFFFF086  }
0x25: {  	[simem:s6], [sflag:s4] =	dma.local [hbm:s3], $0xF7A  }
0x26: {  	[smem:$0x3F9F] =	sst s1;
	(tag) =	ssettag s2;
	_ =	strace s9  }
0x27: {  	s1 =	sld [smem:$0x3FAF]  }
0x28: {  	s2 =	sld [smem:$0x3FB0]  }
0x29: {  	s4 =	sld [smem:$0x3FB2]  }
0x2a: {  	p0 =	seq.s32 s5, $0x0;
	s5 =	sld [smem:$0x3FB3]  }
0x2b: {  	s6 =	sld [smem:$0x3FB4]  }
0x2c: {  	s7 =	sld [smem:$0x3FB5]  }
0x2d: {  	s3 =	simm.s32 $0x108;
	s8 =	sld [smem:$0x3FB6]  }
0x2e: {  	s3 =	simm.s32 @!p0 $0x1082;
	s9 =	sld [smem:$0x3FB7]  }
0x2f: {  	lr =	sadd.s32 s0, s3;
	s0 =	sld [smem:$0x3FAE]  }
0x30: {  	s3 =	sld [smem:$0x3FB1]  }
0x31: {  	[smem:$0x3FBA] =	sst s10  }
0x32: {  	s10 =	sld [smem:$0x3FB8];
	_ =	sdelay $0x3  }
0x33: {  	p0 =	seq.s32 s10, $0x1;
	s10 =	sld [smem:$0x3FBA];
	_ =	sdelay $0x3  }
0x34: {  	[smem:$0x3FBA] =	sst s10  }
0x35: {  	s10 =	sld [smem:$0x3FB9];
	_ =	sdelay $0x3  }
0x36: {  	p1 =	seq.s32 s10, $0x1;
	s10 =	sld [smem:$0x3FBA];
	_ =	sdelay $0x3  }
0x37: {  	[smem:$0x3FBA] =	sst s10  }
0x38: {  	s10 =	sld [smem:$0x3FBB]  }
0x39: {  	_ = 	snop;
	(pc) =	sbr.ind lr, $3  }
0x3a: {  	_ = 	snop  }
0x3b: {  	_ = 	snop  }
0x3c: {  	p2 =	seq.s32 s10, $0x1;
	s10 =	sld [smem:$0x3FBA]  }
0x3d: {  	_ =	shalt  }
0x3e: {  	_ =	shalt  }
0x3f: {  	_ =	shalt  }
0x40: {  	_ =	shalt  }
0x41: {  	_ =	shalt  }
0x42: {  	_ =	shalt  }
0x43: {  	_ =	shalt  }
0x44: {  	_ =	shalt  }
0x45: {  	_ =	shalt  }
0x46: {  	_ =	shalt  }
0x47: {  	_ =	shalt  }
0x48: {  	_ =	shalt  }
0x49: {  	_ =	shalt  }
0x4a: {  	_ =	shalt  }
0x4b: {  	_ =	shalt  }
0x4c: {  	_ =	shalt  }
0x4d: {  	_ =	shalt  }
0x4e: {  	_ =	shalt  }
0x4f: {  	_ =	shalt  }
0x50: {  	_ =	shalt  }
0x51: {  	_ =	shalt  }
0x52: {  	_ =	shalt  }
0x53: {  	_ =	shalt  }
0x54: {  	_ =	shalt  }
0x55: {  	_ =	shalt  }
0x56: {  	_ =	shalt  }
0x57: {  	_ =	shalt  }
0x58: {  	_ =	shalt  }
0x59: {  	_ =	shalt  }
0x5a: {  	_ =	shalt  }
0x5b: {  	_ =	shalt  }
0x5c: {  	_ =	shalt  }
0x5d: {  	_ =	shalt  }
0x5e: {  	_ =	shalt  }
0x5f: {  	_ =	shalt  }
0x60: {  	_ =	shalt  }
0x61: {  	_ =	shalt  }
0x62: {  	_ =	shalt  }
0x63: {  	_ =	shalt  }
0x64: {  	_ =	shalt  }
0x65: {  	_ =	shalt  }
0x66: {  	_ =	shalt  }
0x67: {  	_ =	shalt  }
0x68: {  	_ =	shalt  }
0x69: {  	_ =	shalt  }
0x6a: {  	_ =	shalt  }
0x6b: {  	_ =	shalt  }
0x6c: {  	_ =	shalt  }
0x6d: {  	_ =	shalt  }
0x6e: {  	_ =	shalt  }
0x6f: {  	_ =	shalt  }
0x70: {  	_ =	shalt  }
0x71: {  	_ =	shalt  }
0x72: {  	_ =	shalt  }
0x73: {  	_ =	shalt  }
0x74: {  	_ =	shalt  }
0x75: {  	_ =	shalt  }
0x76: {  	_ =	shalt  }
0x77: {  	_ =	shalt  }
0x78: {  	_ =	shalt  }
0x79: {  	_ =	shalt  }
0x7a: {  	_ =	shalt  }
0x7b: {  	_ =	shalt  }
0x7c: {  	_ =	shalt  }
0x7d: {  	_ =	shalt  }
0x7e: {  	_ =	shalt  }
0x7f: {  	_ =	shalt  }
0x80: {  	_ =	shalt  }
0x81: {  	_ =	shalt  }
0x82: {  	_ =	shalt  }
0x83: {  	_ =	shalt  }
0x84: {  	_ =	shalt  }
0x85: {  	_ =	shalt  }
0x86: {  	_ =	shalt  }
0x87: {  	_ =	shalt  }
.Lfunc_end0:
.L_simem_size_0:
called_computation_lowered:
.L_overlay_start_0:
0x88: {  	s2 =	sld [smem:$0x3FD9]  }
0x89: {  	s3 =	sld [smem:$0x3FFE];
	_ =	sdelay $0x1  }
0x8a: {  	s1 =	srdreg.scid  }
0x8b: {  	s0 =	sand.u32 $0x1, s1  }
0x8c: {  	s15 =	sshll.u32 s0, $0xA;
	s2 =	sadd.s32 s3, s2  }
0x8d: {  	s2 =	sadd.s32 s2, s15  }
0x8e: {  	[smem:$0x3FC6] =	sst s2  }
0x8f: {  	_ = 	snop  }
0x90: {  	s2 =	sld [smem:$0x3FD0];
	_ =	sdelay $0x2  }
0x91: {  	s4 =	simm.s32 $0xA;
	s5 =	simm.s32 $0x10;
	s16 =	sld [smem:$0x3FC8]  }
0x92: {  	[smem:s5], [sflag:s4] =	dma.local [hbm:s2], $0x1  }
0x93: {  	_ =	swait.eq [sflag:s4], $0x1  }
0x94: {  	[sflag:s4] =	ssyncset.done $0x0  }
0x95: {  	s17 =	sld [smem:$0x11];
	[sflag:s4] =	ssyncadd.s32 $0xFFFFFFFF  }
0x96: {  	s18 =	sld [smem:$0x13];
	(tm) =	ssettm $0x1  }
0x97: {  	s19 =	sld [smem:$0x3FFB];
	_ =	sdelay $0x3  }
0x98: {  	_ =	strace s19  }
0x99: {  	s5 =	sld [smem:$0x3FFC];
	_ =	sdelay $0x3  }
0x9a: {  	_ =	strace s5  }
0x9b: {  	s5 =	sld [smem:$0x3FFD];
	_ =	sdelay $0x3  }
0x9c: {  	_ =	strace s5  }
0x9d: {  	_ =	strace $0x8FFFFFFF  }
0x9e: {  	s20 =	sld [smem:$0x3FDB];
	_ =	sdelay $0x1  }
0x9f: {  	s6 =	simm.s32 $_scs_section_size  }
0xa0: {  	s7 =	simm.s32 $_size__tile_overlayer_lowered;
	s8 =	simm.s32 $_tile_overlayer_lowered  }
0xa1: {  	s23 =	simm.s32 $0x1BFF;
	s22 =	sshll.u32 s8, $0x1;
	s5 =	sadd.s32 s6, s20  }
0xa2: {  	s9 =	simm.s32 $0x0;
	s21 =	sshll.u32 s7, $0x1;
	s7 =	sadd.s32 s22, s5  }
0xa3: {  	[timem:s9], [sflag:s23] =	dma.local [hbm:s7], s21  }
0xa4: {  	_ =	swait.ge [sflag:s23], s21  }
0xa5: {  	s6 =	ssub.s32 $0x0, s21;
	[sflag:s23] =	ssyncset.done $0x0  }
0xa6: {  	[sflag:s23] =	ssyncadd.s32 s6;
	_ =	sdelay $0x1  }
0xa7: {  	s24 =	simm.s32 $0x1B8B  }
0xa8: {  	_ =	swait.ge [sflag:s24], $0x1  }
0xa9: {  	[sflag:s24] =	ssyncset.done $0x0  }
0xaa: {  	s25 =	simm.s32 $0x1B8E;
	[sflag:s24] =	ssyncadd.s32 $0xFFFFFFFF  }
0xab: {  	s26 =	simm.s32 $execute0_lowered;
	[smem:$0x3FD2] =	sst s25  }
0xac: {  	s6 =	sshll.u32 s26, $0x1;
	_ =	strace $0x80000046;
	[dreg:$0x1] =	wrdreg $0xFFFFFFFF  }
0xad: {  	s28 =	simm.s32 $_size_execute0_lowered;
	s5 =	sadd.s32 s5, s6;
	[dreg:$0x0] =	wrdreg $0x0  }
0xae: {  	s6 =	sshll.u32 s28, $0x1;
	[dreg:$0x2] =	wrdreg s5  }
0xaf: {  	[dreg:$0x3] =	wrdreg s6  }
0xb0: {  	[dreg:$0x4] =	wrdreg $0xC0  }
0xb1: {  	_ =	task [dreg:s9], $0x5FFFF  }
0xb2: {  	[dreg:$0x1] =	wrdreg $0xFFFFFFFF  }
0xb3: {  	[dreg:$0x0] =	wrdreg $0x60  }
0xb4: {  	[dreg:$0x2] =	wrdreg s16  }
0xb5: {  	[dreg:$0x3] =	wrdreg s17  }
0xb6: {  	[dreg:$0x4] =	wrdreg s18  }
0xb7: {  	[dreg:$0x5] =	wrdreg $0x9  }
0xb8: {  	_ =	task.clear_ibuf [dreg:s9], $0x6FFFF;
	_ =	strace $0x90000046  }
0xb9: {  	s29 =	simm.s32 $0x9;
	_ =	strace $0x80000048  }
0xba: {  	_ =	swait.ge [sflag:s29], $0x1  }
0xbb: {  	[sflag:s29] =	ssyncadd.s32 $0xFFFFFFFF  }
0xbc: {  	_ =	strace $0x90000048  }
0xbd: {  	_ =	sfence  }
0xbe: {  	s30 =	sld [smem:$0x0];
	_ =	sdelay $0x2  }
0xbf: {  	s31 =	sshll.u32 s1, $0xD;
	s1 =	sshrl.u32 s1, $0x2  }
0xc0: {  	s3 =	sand.u32 $0x4000, s31;
	s1 =	sadd.s32 s1, s30  }
0xc1: {  	s0 =	sor.u32 s3, s0;
	s1 =	sshll.u32 s1, $0x11  }
0xc2: {  	s0 =	sor.u32 s1, s0  }
0xc3: {  	s0 =	sadd.s32 $0x8F2B, s0  }
0xc4: {  	[sflag:s0] =	ssyncadd.remote.s32 $0x1  }
0xc5: {  	_ =	sfence.sel $0xFFFF  }
0xc6: {  	[dreg:$0x0] =	wrdreg $0xFFFFFFFF;
	(pc) =	sbr.abs _section_cstart, $3  }
0xc7: {  	[dreg:$0x1] =	wrdreg $0xFFFFFFFF  }
0xc8: {  	_ =	task.clear_ibuf [dreg:s9], $0x2FFFF;
	_ =	strace $0x9FFFFFFF  }
0xc9: {  	(tm) =	ssettm $0x7FFFFFFF  }
tec
execute0_lowered:
.L_overlay_start_1:
0x0: {  	(tag) =	ssettag $0x1  }
0x1: {  	s1 =	rddreg [dreg:$0x0]  }
0x2: {  	s4 =	rddreg [dreg:$0x1]  }
0x3: {  	s5 =	rddreg [dreg:$0x2];
	s3 =	simm.s32 $0x0  }
0x4: {  	s24 =	simm.s32 $0x880;
	[smem:$0x7FF] =	sst s3  }
0x5: {  	s25 =	simm.s32 $0x1080;
	_ =	strace $0x80000047;
	[dreg:$0x6] =	wrdreg s24  }
0x6: {  	s0 =	stileid.u32;
	s26 =	simm.s32 $0x1880;
	[dreg:$0x7] =	wrdreg s25  }
0x7: {  	s6 =	sshll.u32 s0, $0x5;
	s0 =	simm.s32 $0x2080;
	[dreg:$0x8] =	wrdreg s26  }
0x8: {  	s8 =	simm.s32 $0x4080;
	[dreg:$0x9] =	wrdreg s0  }
0x9: {  	s9 =	simm.s32 $0x4880;
	[dreg:$0xd] =	wrdreg s8  }
0xa: {  	s10 =	simm.s32 $0x5080;
	[dreg:$0xe] =	wrdreg s9  }
0xb: {  	s11 =	simm.s32 $0x5880;
	[dreg:$0xf] =	wrdreg s10  }
0xc: {  	s12 =	simm.s32 $0x6080;
	[dreg:$0x10] =	wrdreg s11  }
0xd: {  	s13 =	simm.s32 $0x6880;
	[dreg:$0x11] =	wrdreg s12  }
0xe: {  	s14 =	simm.s32 $0x7080;
	[dreg:$0x12] =	wrdreg s13  }
0xf: {  	s15 =	simm.s32 $0x7880;
	[dreg:$0x13] =	wrdreg s14  }
0x10: {  	s2 =	srdreg.scid;
	s16 =	simm.s32 $0x8080;
	[dreg:$0x14] =	wrdreg s15  }
0x11: {  	s17 =	simm.s32 $0x8880;
	s18 =	simm.s32 $0x9080;
	[dreg:$0x15] =	wrdreg s16  }
0x12: {  	s20 =	simm.s32 $0x9880;
	s21 =	simm.s32 $0xA080;
	[dreg:$0x16] =	wrdreg s17  }
0x13: {  	s22 =	simm.s32 $0xA880;
	s28 =	simm.s32 $0x16080;
	[dreg:$0x17] =	wrdreg s18  }
0x14: {  	s29 =	simm.s32 $0x16880;
	s30 =	simm.s32 $0x17080;
	[dreg:$0x18] =	wrdreg s20  }
0x15: {  	s31 =	simm.s32 $0x17880;
	s2 =	sand.u32 $0x1, s2;
	[dreg:$0x19] =	wrdreg s21  }
0x16: {  	s7 =	sshll.u32 s2, $0x4;
	s2 =	ssub.s32 $0x2, s2;
	[dreg:$0x1a] =	wrdreg s22  }
0x17: {  	s24 =	simm.s32 $0xB880;
	s25 =	simm.s32 $0xC080;
	s8 =	simm.s32 $0x80  }
0x18: {  	s26 =	simm.s32 $0xC880;
	s10 =	simm.s32 $0xD880;
	s11 =	simm.s32 $0xE080  }
0x19: {  	s12 =	simm.s32 $0xE880;
	s13 =	simm.s32 $0xF080;
	s14 =	simm.s32 $0xF880  }
0x1a: {  	s15 =	simm.s32 $0x10080;
	s16 =	simm.s32 $0x10880;
	s17 =	simm.s32 $0x11080  }
0x1b: {  	s18 =	simm.s32 $0x11880;
	s20 =	simm.s32 $0x12880;
	[dreg:$0x1c] =	wrdreg s24  }
0x1c: {  	s21 =	simm.s32 $0x13080;
	s22 =	simm.s32 $0x13880;
	[dreg:$0x1d] =	wrdreg s25  }
0x1d: {  	s6 =	sor.u32 s7, s6;
	s19 =	sshrl.u32 s2, $0x1;
	[dreg:$0x1e] =	wrdreg s26  }
0x1e: {  	s24 =	simm.s32 $0x14880;
	s25 =	simm.s32 $0x15080;
	s26 =	simm.s32 $0x15880  }
0x1f: {  	s7 =	smul.u32 $0x300, s6;
	s4 =	sadd.s32 s4, s6;
	s6 =	simm.s32 $0x3080  }
0x20: {  	s2 =	ssub.s32 s2, s19;
	s19 =	simm.s32 $0x12080;
	[dreg:$0x4] =	wrdreg s4  }
0x21: {  	[dreg:$0xb] =	wrdreg s6;
	s4 =	sadd.s32 $0x100, s1;
	s23 =	sadd.s32 s5, s7  }
0x22: {  	s6 =	smax.u32 s2, $0x1;
	s5 =	simm.s32 $0x2880;
	[dreg:$0x5] =	wrdreg s23  }
0x23: {  	v2 =	vlaneseq.u32;
	s2 =	simm.s32 $0x1;
	s7 =	simm.s32 $0x3880;
	[dreg:$0xa] =	wrdreg s5  }
0x24: {  	vm0 =	vmmov $0xffff;
	v1 =	vshrl.u32 v2, $0x3;
	[dreg:$0xc] =	wrdreg s7;
	s5 =	sadd.s32 $0x200, s1;
	s23 =	simm.s32 $0xB080  }
0x25: {  	v0 =	vand.u32 $0x7, v2;
	v2 =	vor.u32 $0x8, v2;
	v1 =	vmul.u32 $0x8, v1;
	s7 =	simm.s32 $0x2;
	[dreg:$0x1b] =	wrdreg s23;
	s23 =	simm.s32 $0x14080  }
.LBB2_1:
0x26: {  	s0 =	rddreg [dreg:$0x4]  }
0x27: {  	[tilespmem:s3], [sflag:$0x2] =	stream.linear.gather [hbm4b:s0+s3], $0x80, $0x38;
	[tilespmem:$0x18080] =	vst v63  }
0x28: {  	_ =	swait.ge [sflag:s7], $0x80  }
0x29: {  	[sflag:s7] =	ssyncset.done $0x0  }
0x2a: {  	[sflag:s7] =	ssyncadd.s32 $0xFFFFFF80  }
0x2b: {  	v3 =	vld [tilespmem:$0x0];
	_ =	sdelay $0x4  }
0x2c: {  	v4 =	vshrl.u32 v3, $0x3  }
0x2d: {  	v4 =	vmul.u32 $0x30, v4  }
0x2e: {  	v3 =	vand.u32 $0x7, v3  }
0x2f: {  	v3 =	vor.u32 v3, v4  }
0x30: {  	v4 =	vperm.xlane v3, v0;
	_ =	sdelay $0x1  }
0x31: {  	v4 =	vadd.s32 v1, v4;
	_ =	sdelay $0x3  }
0x32: {  	v3 =	vperm.xlane v3, v2  }
0x33: {  	[tilespmem:s8], [sflag:$0x1] =	stream.indirect_vreg.gather [hbm4b:s1+s3], $0x80, v4, vm0, $0xb8;
	[tilespmem:$0x18080] =	vst v63  }
0x34: {  	s0 =	rddreg [dreg:$0x6];
	v3 =	vadd.s32 v1, v3  }
0x35: {  	[tilespmem:s0], [sflag:$0x1] =	stream.indirect_vreg.gather [hbm4b:s4+s3], $0x80, v4, vm0, $0xb8;
	[tilespmem:$0x18080] =	vst v63  }
0x36: {  	s9 =	rddreg [dreg:$0x7]  }
0x37: {  	[tilespmem:s9], [sflag:$0x1] =	stream.indirect_vreg.gather [hbm4b:s5+s3], $0x80, v4, vm0, $0xb8;
	[tilespmem:$0x18080] =	vst v63  }
0x38: {  	s0 =	rddreg [dreg:$0x8]  }
0x39: {  	[tilespmem:s0], [sflag:$0x1] =	stream.indirect_vreg.gather [hbm4b:s1+s3], $0x80, v3, vm0, $0xb8;
	[tilespmem:$0x18080] =	vst v63  }
0x3a: {  	s9 =	rddreg [dreg:$0x9]  }
0x3b: {  	[tilespmem:s9], [sflag:$0x1] =	stream.indirect_vreg.gather [hbm4b:s4+s3], $0x80, v3, vm0, $0xb8;
	[tilespmem:$0x18080] =	vst v63  }
0x3c: {  	s0 =	rddreg [dreg:$0xa]  }
0x3d: {  	[tilespmem:s0], [sflag:$0x1] =	stream.indirect_vreg.gather [hbm4b:s5+s3], $0x80, v3, vm0, $0xb8;
	[tilespmem:$0x18080] =	vst v63  }
0x3e: {  	v3 =	vld [tilespmem:$0x10];
	_ =	sdelay $0x4  }
0x3f: {  	v57 =	vshrl.u32 v3, $0x3  }
0x40: {  	v4 =	vmul.u32 $0x30, v57  }
0x41: {  	v3 =	vand.u32 $0x7, v3  }
0x42: {  	v3 =	vor.u32 v3, v4  }
0x43: {  	v4 =	vperm.xlane v3, v0;
	_ =	sdelay $0x1  }
0x44: {  	v4 =	vadd.s32 v1, v4;
	_ =	sdelay $0x3  }
0x45: {  	s0 =	rddreg [dreg:$0xb];
	v3 =	vperm.xlane v3, v2  }
0x46: {  	[tilespmem:s0], [sflag:$0x1] =	stream.indirect_vreg.gather [hbm4b:s1+s3], $0x80, v4, vm0, $0xb8;
	[tilespmem:$0x18080] =	vst v63  }
0x47: {  	s9 =	rddreg [dreg:$0xc];
	v3 =	vadd.s32 v1, v3  }
0x48: {  	[tilespmem:s9], [sflag:$0x1] =	stream.indirect_vreg.gather [hbm4b:s4+s3], $0x80, v4, vm0, $0xb8;
	[tilespmem:$0x18080] =	vst v63  }
0x49: {  	s0 =	rddreg [dreg:$0xd]  }
0x4a: {  	[tilespmem:s0], [sflag:$0x1] =	stream.indirect_vreg.gather [hbm4b:s5+s3], $0x80, v4, vm0, $0xb8;
	[tilespmem:$0x18080] =	vst v63  }
0x4b: {  	s9 =	rddreg [dreg:$0xe]  }
0x4c: {  	[tilespmem:s9], [sflag:$0x1] =	stream.indirect_vreg.gather [hbm4b:s1+s3], $0x80, v3, vm0, $0xb8;
	[tilespmem:$0x18080] =	vst v63  }
0x4d: {  	s0 =	rddreg [dreg:$0xf]  }
0x4e: {  	[tilespmem:s0], [sflag:$0x1] =	stream.indirect_vreg.gather [hbm4b:s4+s3], $0x80, v3, vm0, $0xb8;
	[tilespmem:$0x18080] =	vst v63  }
0x4f: {  	s9 =	rddreg [dreg:$0x10]  }
0x50: {  	[tilespmem:s9], [sflag:$0x1] =	stream.indirect_vreg.gather [hbm4b:s5+s3], $0x80, v3, vm0, $0xb8;
	[tilespmem:$0x18080] =	vst v63  }
0x51: {  	v3 =	vld [tilespmem:$0x20];
	_ =	sdelay $0x4  }
0x52: {  	v58 =	vshrl.u32 v3, $0x3  }
0x53: {  	v4 =	vmul.u32 $0x30, v58  }
0x54: {  	v3 =	vand.u32 $0x7, v3  }
0x55: {  	v3 =	vor.u32 v3, v4  }
0x56: {  	v4 =	vperm.xlane v3, v0;
	_ =	sdelay $0x1  }
0x57: {  	v4 =	vadd.s32 v1, v4;
	_ =	sdelay $0x3  }
0x58: {  	s0 =	rddreg [dreg:$0x11];
	v3 =	vperm.xlane v3, v2  }
0x59: {  	[tilespmem:s0], [sflag:$0x1] =	stream.indirect_vreg.gather [hbm4b:s1+s3], $0x80, v4, vm0, $0xb8;
	[tilespmem:$0x18080] =	vst v63  }
0x5a: {  	s9 =	rddreg [dreg:$0x12];
	v3 =	vadd.s32 v1, v3  }
0x5b: {  	[tilespmem:s9], [sflag:$0x1] =	stream.indirect_vreg.gather [hbm4b:s4+s3], $0x80, v4, vm0, $0xb8;
	[tilespmem:$0x18080] =	vst v63  }
0x5c: {  	s0 =	rddreg [dreg:$0x13]  }
0x5d: {  	[tilespmem:s0], [sflag:$0x1] =	stream.indirect_vreg.gather [hbm4b:s5+s3], $0x80, v4, vm0, $0xb8;
	[tilespmem:$0x18080] =	vst v63  }
0x5e: {  	s9 =	rddreg [dreg:$0x14]  }
0x5f: {  	[tilespmem:s9], [sflag:$0x1] =	stream.indirect_vreg.gather [hbm4b:s1+s3], $0x80, v3, vm0, $0xb8;
	[tilespmem:$0x18080] =	vst v63  }
0x60: {  	s0 =	rddreg [dreg:$0x15]  }
0x61: {  	[tilespmem:s0], [sflag:$0x1] =	stream.indirect_vreg.gather [hbm4b:s4+s3], $0x80, v3, vm0, $0xb8;
	[tilespmem:$0x18080] =	vst v63  }
0x62: {  	s9 =	rddreg [dreg:$0x16]  }
0x63: {  	[tilespmem:s9], [sflag:$0x1] =	stream.indirect_vreg.gather [hbm4b:s5+s3], $0x80, v3, vm0, $0xb8;
	[tilespmem:$0x18080] =	vst v63  }
0x64: {  	v3 =	vld [tilespmem:$0x30];
	_ =	sdelay $0x4  }
0x65: {  	v59 =	vshrl.u32 v3, $0x3  }
0x66: {  	v4 =	vmul.u32 $0x30, v59  }
0x67: {  	v3 =	vand.u32 $0x7, v3  }
0x68: {  	v3 =	vor.u32 v3, v4  }
0x69: {  	v4 =	vperm.xlane v3, v0;
	_ =	sdelay $0x1  }
0x6a: {  	v4 =	vadd.s32 v1, v4;
	_ =	sdelay $0x3  }
0x6b: {  	s0 =	rddreg [dreg:$0x17];
	v3 =	vperm.xlane v3, v2  }
0x6c: {  	[tilespmem:s0], [sflag:$0x1] =	stream.indirect_vreg.gather [hbm4b:s1+s3], $0x80, v4, vm0, $0xb8;
	[tilespmem:$0x18080] =	vst v63  }
0x6d: {  	s9 =	rddreg [dreg:$0x18];
	v3 =	vadd.s32 v1, v3  }
0x6e: {  	[tilespmem:s9], [sflag:$0x1] =	stream.indirect_vreg.gather [hbm4b:s4+s3], $0x80, v4, vm0, $0xb8;
	[tilespmem:$0x18080] =	vst v63  }
0x6f: {  	s0 =	rddreg [dreg:$0x19]  }
0x70: {  	[tilespmem:s0], [sflag:$0x1] =	stream.indirect_vreg.gather [hbm4b:s5+s3], $0x80, v4, vm0, $0xb8;
	[tilespmem:$0x18080] =	vst v63  }
0x71: {  	s9 =	rddreg [dreg:$0x1a]  }
0x72: {  	[tilespmem:s9], [sflag:$0x1] =	stream.indirect_vreg.gather [hbm4b:s1+s3], $0x80, v3, vm0, $0xb8;
	[tilespmem:$0x18080] =	vst v63  }
0x73: {  	s0 =	rddreg [dreg:$0x1b]  }
0x74: {  	[tilespmem:s0], [sflag:$0x1] =	stream.indirect_vreg.gather [hbm4b:s4+s3], $0x80, v3, vm0, $0xb8;
	[tilespmem:$0x18080] =	vst v63  }
0x75: {  	s9 =	rddreg [dreg:$0x1c]  }
0x76: {  	[tilespmem:s9], [sflag:$0x1] =	stream.indirect_vreg.gather [hbm4b:s5+s3], $0x80, v3, vm0, $0xb8;
	[tilespmem:$0x18080] =	vst v63  }
0x77: {  	v3 =	vld [tilespmem:$0x40];
	_ =	sdelay $0x4  }
0x78: {  	v60 =	vshrl.u32 v3, $0x3  }
0x79: {  	v4 =	vmul.u32 $0x30, v60  }
0x7a: {  	v3 =	vand.u32 $0x7, v3  }
0x7b: {  	v3 =	vor.u32 v3, v4  }
0x7c: {  	v4 =	vperm.xlane v3, v0;
	_ =	sdelay $0x1  }
0x7d: {  	v4 =	vadd.s32 v1, v4;
	_ =	sdelay $0x3  }
0x7e: {  	s0 =	rddreg [dreg:$0x1d];
	v3 =	vperm.xlane v3, v2  }
0x7f: {  	[tilespmem:s0], [sflag:$0x1] =	stream.indirect_vreg.gather [hbm4b:s1+s3], $0x80, v4, vm0, $0xb8;
	[tilespmem:$0x18080] =	vst v63  }
0x80: {  	s9 =	rddreg [dreg:$0x1e];
	v3 =	vadd.s32 v1, v3  }
0x81: {  	[tilespmem:s9], [sflag:$0x1] =	stream.indirect_vreg.gather [hbm4b:s4+s3], $0x80, v4, vm0, $0xb8;
	[tilespmem:$0x18080] =	vst v63  }
0x82: {  	s9 =	simm.s32 $0xD080  }
0x83: {  	[tilespmem:s9], [sflag:$0x1] =	stream.indirect_vreg.gather [hbm4b:s5+s3], $0x80, v4, vm0, $0xb8;
	[tilespmem:$0x18080] =	vst v63  }
0x84: {  	_ = 	snop  }
0x85: {  	[tilespmem:s10], [sflag:$0x1] =	stream.indirect_vreg.gather [hbm4b:s1+s3], $0x80, v3, vm0, $0xb8;
	[tilespmem:$0x18080] =	vst v63  }
0x86: {  	_ = 	snop  }
0x87: {  	[tilespmem:s11], [sflag:$0x1] =	stream.indirect_vreg.gather [hbm4b:s4+s3], $0x80, v3, vm0, $0xb8;
	[tilespmem:$0x18080] =	vst v63  }
0x88: {  	_ = 	snop  }
0x89: {  	[tilespmem:s12], [sflag:$0x1] =	stream.indirect_vreg.gather [hbm4b:s5+s3], $0x80, v3, vm0, $0xb8;
	[tilespmem:$0x18080] =	vst v63  }
0x8a: {  	v3 =	vld [tilespmem:$0x50];
	_ =	sdelay $0x4  }
0x8b: {  	v61 =	vshrl.u32 v3, $0x3  }
0x8c: {  	v4 =	vmul.u32 $0x30, v61  }
0x8d: {  	v3 =	vand.u32 $0x7, v3  }
0x8e: {  	v3 =	vor.u32 v3, v4  }
0x8f: {  	v4 =	vperm.xlane v3, v0;
	_ =	sdelay $0x1  }
0x90: {  	v4 =	vadd.s32 v1, v4;
	_ =	sdelay $0x3  }
0x91: {  	v3 =	vperm.xlane v3, v2  }
0x92: {  	[tilespmem:s13], [sflag:$0x1] =	stream.indirect_vreg.gather [hbm4b:s1+s3], $0x80, v4, vm0, $0xb8;
	[tilespmem:$0x18080] =	vst v63  }
0x93: {  	v3 =	vadd.s32 v1, v3  }
0x94: {  	[tilespmem:s14], [sflag:$0x1] =	stream.indirect_vreg.gather [hbm4b:s4+s3], $0x80, v4, vm0, $0xb8;
	[tilespmem:$0x18080] =	vst v63  }
0x95: {  	_ = 	snop  }
0x96: {  	[tilespmem:s15], [sflag:$0x1] =	stream.indirect_vreg.gather [hbm4b:s5+s3], $0x80, v4, vm0, $0xb8;
	[tilespmem:$0x18080] =	vst v63  }
0x97: {  	_ = 	snop  }
0x98: {  	[tilespmem:s16], [sflag:$0x1] =	stream.indirect_vreg.gather [hbm4b:s1+s3], $0x80, v3, vm0, $0xb8;
	[tilespmem:$0x18080] =	vst v63  }
0x99: {  	_ = 	snop  }
0x9a: {  	[tilespmem:s17], [sflag:$0x1] =	stream.indirect_vreg.gather [hbm4b:s4+s3], $0x80, v3, vm0, $0xb8;
	[tilespmem:$0x18080] =	vst v63  }
0x9b: {  	_ = 	snop  }
0x9c: {  	[tilespmem:s18], [sflag:$0x1] =	stream.indirect_vreg.gather [hbm4b:s5+s3], $0x80, v3, vm0, $0xb8;
	[tilespmem:$0x18080] =	vst v63  }
0x9d: {  	v3 =	vld [tilespmem:$0x60];
	_ =	sdelay $0x4  }
0x9e: {  	v62 =	vshrl.u32 v3, $0x3  }
0x9f: {  	v4 =	vmul.u32 $0x30, v62  }
0xa0: {  	v3 =	vand.u32 $0x7, v3  }
0xa1: {  	v3 =	vor.u32 v3, v4  }
0xa2: {  	v4 =	vperm.xlane v3, v0;
	_ =	sdelay $0x1  }
0xa3: {  	v4 =	vadd.s32 v1, v4;
	_ =	sdelay $0x3  }
0xa4: {  	v3 =	vperm.xlane v3, v2  }
0xa5: {  	[tilespmem:s19], [sflag:$0x1] =	stream.indirect_vreg.gather [hbm4b:s1+s3], $0x80, v4, vm0, $0xb8;
	[tilespmem:$0x18080] =	vst v63  }
0xa6: {  	v3 =	vadd.s32 v1, v3  }
0xa7: {  	[tilespmem:s20], [sflag:$0x1] =	stream.indirect_vreg.gather [hbm4b:s4+s3], $0x80, v4, vm0, $0xb8;
	[tilespmem:$0x18080] =	vst v63  }
0xa8: {  	_ = 	snop  }
0xa9: {  	[tilespmem:s21], [sflag:$0x1] =	stream.indirect_vreg.gather [hbm4b:s5+s3], $0x80, v4, vm0, $0xb8;
	[tilespmem:$0x18080] =	vst v63  }
0xaa: {  	_ = 	snop  }
0xab: {  	[tilespmem:s22], [sflag:$0x1] =	stream.indirect_vreg.gather [hbm4b:s1+s3], $0x80, v3, vm0, $0xb8;
	[tilespmem:$0x18080] =	vst v63  }
0xac: {  	_ = 	snop  }
0xad: {  	[tilespmem:s23], [sflag:$0x1] =	stream.indirect_vreg.gather [hbm4b:s4+s3], $0x80, v3, vm0, $0xb8;
	[tilespmem:$0x18080] =	vst v63  }
0xae: {  	_ = 	snop  }
0xaf: {  	[tilespmem:s24], [sflag:$0x1] =	stream.indirect_vreg.gather [hbm4b:s5+s3], $0x80, v3, vm0, $0xb8;
	[tilespmem:$0x18080] =	vst v63  }
0xb0: {  	v3 =	vld [tilespmem:$0x70];
	_ =	sdelay $0x4  }
0xb1: {  	v63 =	vshrl.u32 v3, $0x3  }
0xb2: {  	v4 =	vmul.u32 $0x30, v63  }
0xb3: {  	v3 =	vand.u32 $0x7, v3  }
0xb4: {  	v3 =	vor.u32 v3, v4  }
0xb5: {  	v4 =	vperm.xlane v3, v0;
	_ =	sdelay $0x1  }
0xb6: {  	v4 =	vadd.s32 v1, v4;
	_ =	sdelay $0x3  }
0xb7: {  	v3 =	vperm.xlane v3, v2  }
0xb8: {  	[tilespmem:s25], [sflag:$0x1] =	stream.indirect_vreg.gather [hbm4b:s1+s3], $0x80, v4, vm0, $0xb8;
	[tilespmem:$0x18080] =	vst v63  }
0xb9: {  	v3 =	vadd.s32 v1, v3  }
0xba: {  	[tilespmem:s26], [sflag:$0x1] =	stream.indirect_vreg.gather [hbm4b:s4+s3], $0x80, v4, vm0, $0xb8;
	[tilespmem:$0x18080] =	vst v63  }
0xbb: {  	_ = 	snop  }
0xbc: {  	[tilespmem:s28], [sflag:$0x1] =	stream.indirect_vreg.gather [hbm4b:s5+s3], $0x80, v4, vm0, $0xb8;
	[tilespmem:$0x18080] =	vst v63  }
0xbd: {  	_ = 	snop  }
0xbe: {  	[tilespmem:s29], [sflag:$0x1] =	stream.indirect_vreg.gather [hbm4b:s1+s3], $0x80, v3, vm0, $0xb8;
	[tilespmem:$0x18080] =	vst v63  }
0xbf: {  	_ = 	snop  }
0xc0: {  	[tilespmem:s30], [sflag:$0x1] =	stream.indirect_vreg.gather [hbm4b:s4+s3], $0x80, v3, vm0, $0xb8;
	[tilespmem:$0x18080] =	vst v63  }
0xc1: {  	_ = 	snop  }
0xc2: {  	[tilespmem:s31], [sflag:$0x1] =	stream.indirect_vreg.gather [hbm4b:s5+s3], $0x80, v3, vm0, $0xb8;
	[tilespmem:$0x18080] =	vst v63  }
0xc3: {  	_ =	swait.ge [sflag:s2], $0x18000  }
0xc4: {  	p0 =	sne.s32 s6, $0x1;
	[sflag:s2] =	ssyncset.done $0x0  }
.Ltmp0:
0xc5: {  	s9 =	rddreg [dreg:$0x5];
	[sflag:s2] =	ssyncadd.s32 $0xFFFE8000;
	(pc) =	sbr.rel @p0 .LBB2_1-.Ltmp0, $4  }
0xc6: {  	[hbm4b:s9+s3] =	stream.linear.scatter [tilespmem:s8], [sflag:$0x2], $0x18000, $0x38;
	[tilespmem:$0x18080] =	vst v63  }
0xc7: {  	_ =	swait.ge [sflag:s7], $0x18000  }
0xc8: {  	[sflag:s7] =	ssyncset.done $0x0  }
0xc9: {  	s6 =	sadd.s32 $0xFFFFFFFF, s6;
	[sflag:s7] =	ssyncadd.s32 $0xFFFE8000  }
0xca: {  	_ =	sfence.sel $0x180000  }
0xcb: {  	[bflag:$0x0] =	sbarrier.arrive $0xFFFF  }
0xcc: {  	_ =	strace $0x90000047  }
0xcd: {  	s0 =	stileid.u32;
	[bflag:$0x2] =	sbarrier.arrive $0xFFFF  }
0xce: {  	p0 =	sne.s32 s0, $0x0;
	s0 =	rddreg [dreg:$0x3]  }
0xcf: {  	s0 =	sadd.s32 @!p0 $0x100000, s0  }
0xd0: {  	[sflag:s0] =	ssyncadd.tile.s32 @!p0 $0x1;
	_ =	shalt  }
.Lfunc_end2:
_tile_overlayer_lowered:
.L_overlay_start_2:
0xd1: {  	(tag) =	ssettag $0x2  }
0xd2: {  	s0 =	rddreg [dreg:$0x0];
	s2 =	stileid.u32  }
0xd3: {  	s1 =	rddreg [dreg:$0x1];
	p0 =	sne.s32 s2, $0x0  }
0xd4: {  	s3 =	rddreg [dreg:$0x2];
	[bflag:$0x3] =	sbarrier.arrive $0xFFFF;
	s2 =	simm.s32 @!p0 $0x1C02  }
0xd5: {  	[timem:s3], [sflag:s2] =	dma.local @!p0 [hbm:s0], s1  }
0xd6: {  	s0 =	simm.s32 @!p0 $0x2  }
0xd7: {  	_ =	swait.ge @!p0 [sflag:s0], s1  }
0xd8: {  	s1 =	ssub.s32 @!p0 $0x0, s1;
	[sflag:s0] =	ssyncset.done @!p0 $0x0  }
0xd9: {  	[sflag:s0] =	ssyncadd.s32 @!p0 s1  }
0xda: {  	[bflag:$0x3] =	sbarrier.arrive $0xFFFF  }
0xdb: {  	_ =	shalt  }

</sc_bundles>
